<compile_context>
chip_gen: v7x
topology: tpu7x:2x2x1
jax: 0.10.2.dev20260603
libtpu: 0.0.44.dev20260713+nightly
codegen_flags: <defaults>
</compile_context>

<pallas_src>
import jax
import jax.numpy as jnp
from jax.experimental import pallas as pl
import jax.experimental.pallas.tpu as pltpu
from jax.experimental.pallas import tpu_sc as plsc

C_BLK = 8
N_CELLS = 256
N_GENES = 2000
N_EMB = 100
N_BIAS = 128
LANES = 16


def _bias_gather_sc(gix_hbm, bias_hbm, brow_hbm, gix_v, bias_v, brow_v):
    cid = jax.lax.axis_index("c")
    sid = jax.lax.axis_index("s")

    @pl.when(jnp.logical_and(cid == 0, sid == 0))
    def _():
        pltpu.sync_copy(gix_hbm, gix_v)
        pltpu.sync_copy(bias_hbm, bias_v)

        def body(i, carry):
            idx = gix_v[pl.ds(i * LANES, LANES)]
            brow_v[pl.ds(i * LANES, LANES)] = plsc.load_gather(bias_v, [idx])
            return carry

        jax.lax.fori_loop(0, N_GENES // LANES, body, 0)
        pltpu.sync_copy(brow_v, brow_hbm)


def _mean_kernel(emb_ref, brow_ref, out_ref):
    x = emb_ref[...]
    s = jnp.sum(x, axis=1) * (1.0 / N_EMB)
    out_ref[...] = s + brow_ref[...]


@jax.jit
def kernel(cell_gene_embedding, gene_ix, bias1):
    sc_gather = pl.kernel(
        _bias_gather_sc,
        mesh=plsc.VectorSubcoreMesh(core_axis_name="c", subcore_axis_name="s"),
        out_type=jax.ShapeDtypeStruct((N_GENES,), jnp.float32),
        scratch_types=[
            pltpu.VMEM((N_GENES,), jnp.int32),
            pltpu.VMEM((N_BIAS,), jnp.float32),
            pltpu.VMEM((N_GENES,), jnp.float32),
        ],
        compiler_params=pltpu.CompilerParams(needs_layout_passes=False),
    )
    brow = sc_gather(gene_ix.astype(jnp.int32), bias1)
    x_t = jnp.swapaxes(cell_gene_embedding, 1, 2)
    return pl.pallas_call(
        _mean_kernel,
        grid=(N_CELLS // C_BLK,),
        in_specs=[
            pl.BlockSpec((C_BLK, N_EMB, N_GENES), lambda i: (i, 0, 0)),
            pl.BlockSpec((1, N_GENES), lambda i: (0, 0)),
        ],
        out_specs=pl.BlockSpec((C_BLK, N_GENES), lambda i: (i, 0)),
        out_shape=jax.ShapeDtypeStruct((N_CELLS, N_GENES), jnp.float32),
    )(x_t, brow.reshape(1, N_GENES))

# --- scband reference (transcript-rebuilt; emitter-appended) ---
"""Pipeline reference for scband-embedding-to-expression-8289286881952 (READ-ONLY COPY).

The authoritative reference and input builder live on the scoring server;
editing this copy changes nothing except your own understanding.
"""

import jax, jax.numpy as jnp
import numpy as np


def setup_inputs(seed: int = 0) -> dict:
    key = jax.random.key(seed)
    k1, k2, k3 = jax.random.split(key, 3)
    cell_gene_embedding = jax.random.normal(k1, (256, 2000, 100), dtype=jnp.float32)
    gene_ix = jax.random.randint(k2, (2000,), 0, 128)
    # learned parameter: per-gene bias initialized from mean gene expression
    bias1 = jax.random.normal(k3, (128,), dtype=jnp.float32) * 0.1 + 0.5
    return {"cell_gene_embedding": cell_gene_embedding, "gene_ix": gene_ix, "bias1": bias1}


def reference(cell_gene_embedding, gene_ix, bias1):
    # mean over embedding-component axis + gather of per-gene bias
    return cell_gene_embedding.mean(-1) + jnp.take(bias1, gene_ix, axis=0)

if __name__ == "__main__":
    import jax
    _d = setup_inputs()
    print(jax.jit(kernel)(*tuple(_d.values())))

</pallas_src>

<mosaic_0001>
#map = affine_map<(d0, d1) -> (0)>
module attributes {stable_mosaic.version = 14 : i64} {
  func.func @_bias_gather_sc(%arg0: i32, %arg1: i32, %arg2: memref<2000xi32, #tpu.memory_space<hbm>>, %arg3: memref<128xf32, #tpu.memory_space<hbm>>, %arg4: memref<2000xf32, #tpu.memory_space<hbm>>, %arg5: memref<2000xi32, #tpu.memory_space<vmem>>, %arg6: memref<128xf32, #tpu.memory_space<vmem>>, %arg7: memref<2000xf32, #tpu.memory_space<vmem>>) attributes {dimension_semantics = [#tpu.dimension_semantics<core_parallel>, #tpu.dimension_semantics<subcore_parallel>], iteration_bounds = array<i64: 2, 16>, scalar_prefetch = 0 : i64, scratch_operands = 3 : i64, tpu.core_type = #tpu.core_type<sc_vector_subcore>, window_params = [{transform_indices = #map}, {transform_indices = #map}, {transform_indices = #map}]} {
    %eq3A = arith.constant 0 : i32
    %eq3A_0 = arith.cmpi eq, %arg0, %eq3A : i32
    %eq3A_1 = arith.constant 0 : i32
    %eq3A_2 = arith.cmpi eq, %arg1, %eq3A_1 : i32
    %and3A = arith.andi %eq3A_0, %eq3A_2 : i1
    %convert_element_type3A = arith.extui %and3A : i1 to i32
    %cond3A = arith.constant 0 : i32
    %cond3A_3 = arith.cmpi ne, %convert_element_type3A, %cond3A : i32
    scf.if %cond3A_3 {
      "tpu.region"() ({
        %run_scoped3A = tpu.sem_alloc : memref<!tpu.dma_semaphore, #tpu.memory_space<semaphore_mem>>
        tpu.enqueue_dma source(%arg2 : memref<2000xi32, #tpu.memory_space<hbm>>) target(%arg5 : memref<2000xi32, #tpu.memory_space<vmem>>) target_semaphore(%run_scoped3A : memref<!tpu.dma_semaphore, #tpu.memory_space<semaphore_mem>>)
        tpu.wait_dma2 semaphore(%run_scoped3A : memref<!tpu.dma_semaphore, #tpu.memory_space<semaphore_mem>>) src(%arg2 : memref<2000xi32, #tpu.memory_space<hbm>>) dst(%arg5 : memref<2000xi32, #tpu.memory_space<vmem>>)
        tpu.yield
      }) : () -> ()
      "tpu.region"() ({
        %run_scoped3A = tpu.sem_alloc : memref<!tpu.dma_semaphore, #tpu.memory_space<semaphore_mem>>
        tpu.enqueue_dma source(%arg3 : memref<128xf32, #tpu.memory_space<hbm>>) target(%arg6 : memref<128xf32, #tpu.memory_space<vmem>>) target_semaphore(%run_scoped3A : memref<!tpu.dma_semaphore, #tpu.memory_space<semaphore_mem>>)
        tpu.wait_dma2 semaphore(%run_scoped3A : memref<!tpu.dma_semaphore, #tpu.memory_space<semaphore_mem>>) src(%arg3 : memref<128xf32, #tpu.memory_space<hbm>>) dst(%arg6 : memref<128xf32, #tpu.memory_space<vmem>>)
        tpu.yield
      }) : () -> ()
      %scan3A = arith.constant 0 : i32
      %scan3A_4 = arith.constant 0 : i32
      %scan3A_5 = arith.constant 125 : i32
      %scan3A_6 = arith.addi %scan3A_4, %scan3A_5 : i32
      %scan3A_7 = arith.constant 1 : i32
      scf.for %scan3A_9 = %scan3A_4 to %scan3A_6 step %scan3A_7  : i32 {
        %mul3A = arith.constant 16 : i32
        %mul3A_10 = arith.muli %scan3A_9, %mul3A : i32
        %get3A = arith.index_cast %mul3A_10 : i32 to index
        %get3A_11 = tpu.vector_load %arg5[%get3A] {strides = array<i32>} : memref<2000xi32, #tpu.memory_space<vmem>>, vector<16xi32>,
        %gather3A = tpu.vector_load_idx %arg6[%get3A_11] : memref<128xf32, #tpu.memory_space<vmem>>[vector<16xi32>], vector<16xf32>,
        %mul3A_12 = arith.constant 16 : i32
        %mul3A_13 = arith.muli %scan3A_9, %mul3A_12 : i32
        %swap3A = arith.index_cast %mul3A_13 : i32 to index
        %swap3A_14 = tpu.vector_load %arg7[%swap3A] {strides = array<i32>} : memref<2000xf32, #tpu.memory_space<vmem>>, vector<16xf32>,
        tpu.vector_store %arg7[%swap3A], %gather3A {strides = array<i32>} : memref<2000xf32, #tpu.memory_space<vmem>>, vector<16xf32>,
      }
      %scan3A_8 = arith.constant 125 : i32
      "tpu.region"() ({
        %run_scoped3A = tpu.sem_alloc : memref<!tpu.dma_semaphore, #tpu.memory_space<semaphore_mem>>
        tpu.enqueue_dma source(%arg7 : memref<2000xf32, #tpu.memory_space<vmem>>) target(%arg4 : memref<2000xf32, #tpu.memory_space<hbm>>) target_semaphore(%run_scoped3A : memref<!tpu.dma_semaphore, #tpu.memory_space<semaphore_mem>>)
        tpu.wait_dma2 semaphore(%run_scoped3A : memref<!tpu.dma_semaphore, #tpu.memory_space<semaphore_mem>>) src(%arg7 : memref<2000xf32, #tpu.memory_space<vmem>>) dst(%arg4 : memref<2000xf32, #tpu.memory_space<hbm>>)
        tpu.yield
      }) : () -> ()
    } else {
    }
    return
  }
}

module attributes {stable_mosaic.version = 14 : i64} {
  func.func @_mean_kernel(%arg0: i32, %arg1: memref<8x100x2000xf32, #tpu.memory_space<vmem>>, %arg2: memref<1x2000xf32, #tpu.memory_space<vmem>>, %arg3: memref<8x2000xf32, #tpu.memory_space<vmem>>) attributes {dimension_semantics = [#tpu.dimension_semantics<arbitrary>], iteration_bounds = array<i64: 32>, scalar_prefetch = 0 : i64, scratch_operands = 0 : i64, tpu.core_type = #tpu.core_type<tc>, window_params = [{transform_indices = @transform_0, window_bounds = array<i64: 8, 100, 2000>}, {pipeline_mode = #tpu.pipeline_mode<synchronous>, transform_indices = @transform_1, window_bounds = array<i64: 1, 2000>}, {transform_indices = @transform_2, window_bounds = array<i64: 8, 2000>}]} {
    %get3A = arith.constant 0 : index
    %get3A_0 = arith.constant 0 : index
    %get3A_1 = arith.constant 0 : index
    %get3A_2 = vector.load %arg1[%get3A, %get3A_0, %get3A_1] : memref<8x100x2000xf32, #tpu.memory_space<vmem>>, vector<8x100x2000xf32>
    %reduce_sum3A = arith.constant dense<0.000000e+00> : vector<8x2000xf32>
    %reduce_sum3A_3 = vector.multi_reduction <add>, %get3A_2, %reduce_sum3A [1] : vector<8x100x2000xf32> to vector<8x2000xf32>
    %mul3A = arith.constant 0.00999999977 : f32
    %mul3A_4 = vector.broadcast %mul3A : f32 to vector<8x2000xf32>
    %mul3A_5 = arith.mulf %reduce_sum3A_3, %mul3A_4 : vector<8x2000xf32>
    %get3A_6 = arith.constant 0 : index
    %get3A_7 = arith.constant 0 : index
    %get3A_8 = vector.load %arg2[%get3A_6, %get3A_7] : memref<1x2000xf32, #tpu.memory_space<vmem>>, vector<1x2000xf32>
    %add3A = vector.broadcast %get3A_8 : vector<1x2000xf32> to vector<8x2000xf32>
    %add3A_9 = arith.addf %mul3A_5, %add3A : vector<8x2000xf32>
    %swap3A = arith.constant 0 : index
    %swap3A_10 = arith.constant 0 : index
    %swap3A_11 = vector.load %arg3[%swap3A, %swap3A_10] : memref<8x2000xf32, #tpu.memory_space<vmem>>, vector<8x2000xf32>
    tpu.vector_store %arg3[%swap3A, %swap3A_10], %add3A_9 {strides = array<i32>} : memref<8x2000xf32, #tpu.memory_space<vmem>>, vector<8x2000xf32>,
    return
  }
  func.func @transform_0(%arg0: i32) -> (i32, i32, i32) {
    %c0_i32 = arith.constant 0 : i32
    %c0_i32_0 = arith.constant 0 : i32
    %c0_i32_1 = arith.constant 0 : i32
    return %arg0, %c0_i32, %c0_i32_0 : i32, i32, i32
  }
  func.func @transform_1(%arg0: i32) -> (i32, i32) {
    %c0_i32 = arith.constant 0 : i32
    %c0_i32_0 = arith.constant 0 : i32
    %c0_i32_1 = arith.constant 0 : i32
    return %c0_i32, %c0_i32_0 : i32, i32
  }
  func.func @transform_2(%arg0: i32) -> (i32, i32) {
    %c0_i32 = arith.constant 0 : i32
    %c0_i32_0 = arith.constant 0 : i32
    return %arg0, %c0_i32 : i32, i32
  }
}

</mosaic_0001>

<sc_bundles>
// kernel: kernel.4.cloned.1.call-start
scs
__scs_entry_jumppad:
0x0: {  	(pc) =	sbr.rel $0x88, $3  }
0x1: {  	(tag) =	ssettag $0x0;
	lr =	simm.s32 $0x1  }
0x2: {  	[smem:$0x3F9E] =	sst lr;
	_ =	strace $0xD0000000  }
0x3: {  	_ = 	snop  }
0x4: {  	_ = 	snop  }
0x5: {  	_ = 	snop  }
0x6: {  	_ = 	snop  }
0x7: {  	_ = 	snop  }
__scs_overlays_trampoline_lowered:
0x8: {  	[smem:$0x3FAD] =	sst s0  }
0x9: {  	[smem:$0x3FAE] =	sst s1  }
0xa: {  	[smem:$0x3FAF] =	sst s2  }
0xb: {  	[smem:$0x3FB0] =	sst s3  }
0xc: {  	[smem:$0x3FB1] =	sst s4  }
0xd: {  	[smem:$0x3FB2] =	sst s5  }
0xe: {  	[smem:$0x3FB3] =	sst s6  }
0xf: {  	[smem:$0x3FB4] =	sst s7  }
0x10: {  	[smem:$0x3FB5] =	sst s8  }
0x11: {  	[smem:$0x3FB6] =	sst s9;
	s0 =	simm.s32 @!p0 $0x0  }
0x12: {  	s1 =	sld [smem:$0x3F9C];
	s0 =	simm.s32 @p0 $0x1  }
0x13: {  	[smem:$0x3FB7] =	sst s0;
	s0 =	simm.s32 @!p1 $0x0  }
0x14: {  	s2 =	sld [smem:$0x3F9B];
	s0 =	simm.s32 @p1 $0x1  }
0x15: {  	[smem:$0x3FB8] =	sst s0;
	s0 =	simm.s32 @!p2 $0x0  }
0x16: {  	s3 =	sld [smem:$0x3FDB];
	s0 =	simm.s32 @p2 $0x1  }
0x17: {  	s4 =	simm.s32 $0x1BF5;
	[smem:$0x3FBA] =	sst s0  }
0x18: {  	s0 =	sld [smem:$0x3F9D];
	_ =	swait.ge [sflag:s4], $0x0  }
0x19: {  	s7 =	sld [smem:$0x3F9E]  }
0x1a: {  	s8 =	sadd.s32 $0xFFFFE003, lr  }
0x1b: {  	s9 =	sadd.s32 $0xFFFFFEF7, lr;
	s5 =	simm.s32 $0xFFFFFFFF;
	p2 =	slt.u32 s8, $0xFFFFF086  }
0x1c: {  	p1 =	slt.u32 s9, $0xF7A;
	s5 =	simm.s32 @!p2 $0x0  }
0x1d: {  	s5 =	simm.s32 @p1 $0x1;
	p0 =	seq.s32 s7, s2  }
0x1e: {  	s7 =	smul.u32 @!p0 $0xF7A, s2;
	p2 =	seq.s32 @!p0 s5, $0x0  }
0x1f: {  	s9 =	smul.u32 $0xF7A, s1;
	s8 =	simm.s32 @!p0 $0x1BF5;
	p2 =	por !p2, p0  }
0x20: {  	[sflag:s8] =	ssyncset.s32 @!p0 $0xFFFFF086;
	s6 =	sadd.s32 @!p0 s3, s7;
	s7 =	simm.s32 @!p0 $0x108  }
0x21: {  	s3 =	sadd.s32 s3, s9;
	s6 =	sadd.s32 @!p0 $0x88, s6;
	s7 =	simm.s32 @p2 $0x1082  }
0x22: {  	[simem:s7], [sflag:s8] =	dma.local @!p0 [hbm:s6], $0xF7A  }
0x23: {  	s9 =	sor.u32 $0xD0000000, s2;
	s6 =	simm.s32 $0x108;
	_ =	swait.ge @!p0 [sflag:s8], $0x0  }
0x24: {  	s3 =	sadd.s32 $0x88, s3;
	s6 =	simm.s32 @!p1 $0x1082;
	[sflag:s4] =	ssyncset.s32 $0xFFFFF086  }
0x25: {  	[simem:s6], [sflag:s4] =	dma.local [hbm:s3], $0xF7A  }
0x26: {  	[smem:$0x3F9E] =	sst s1;
	(tag) =	ssettag s2;
	_ =	strace s9  }
0x27: {  	s1 =	sld [smem:$0x3FAE]  }
0x28: {  	s2 =	sld [smem:$0x3FAF]  }
0x29: {  	s4 =	sld [smem:$0x3FB1]  }
0x2a: {  	p0 =	seq.s32 s5, $0x0;
	s5 =	sld [smem:$0x3FB2]  }
0x2b: {  	s6 =	sld [smem:$0x3FB3]  }
0x2c: {  	s7 =	sld [smem:$0x3FB4]  }
0x2d: {  	s3 =	simm.s32 $0x108;
	s8 =	sld [smem:$0x3FB5]  }
0x2e: {  	s3 =	simm.s32 @!p0 $0x1082;
	s9 =	sld [smem:$0x3FB6]  }
0x2f: {  	lr =	sadd.s32 s0, s3;
	s0 =	sld [smem:$0x3FAD]  }
0x30: {  	s3 =	sld [smem:$0x3FB0]  }
0x31: {  	[smem:$0x3FB9] =	sst s10  }
0x32: {  	s10 =	sld [smem:$0x3FB7];
	_ =	sdelay $0x3  }
0x33: {  	p0 =	seq.s32 s10, $0x1;
	s10 =	sld [smem:$0x3FB9];
	_ =	sdelay $0x3  }
0x34: {  	[smem:$0x3FB9] =	sst s10  }
0x35: {  	s10 =	sld [smem:$0x3FB8];
	_ =	sdelay $0x3  }
0x36: {  	p1 =	seq.s32 s10, $0x1;
	s10 =	sld [smem:$0x3FB9];
	_ =	sdelay $0x3  }
0x37: {  	[smem:$0x3FB9] =	sst s10  }
0x38: {  	s10 =	sld [smem:$0x3FBA]  }
0x39: {  	_ = 	snop;
	(pc) =	sbr.ind lr, $3  }
0x3a: {  	_ = 	snop  }
0x3b: {  	_ = 	snop  }
0x3c: {  	p2 =	seq.s32 s10, $0x1;
	s10 =	sld [smem:$0x3FB9]  }
0x3d: {  	_ =	shalt  }
0x3e: {  	_ =	shalt  }
0x3f: {  	_ =	shalt  }
0x40: {  	_ =	shalt  }
0x41: {  	_ =	shalt  }
0x42: {  	_ =	shalt  }
0x43: {  	_ =	shalt  }
0x44: {  	_ =	shalt  }
0x45: {  	_ =	shalt  }
0x46: {  	_ =	shalt  }
0x47: {  	_ =	shalt  }
0x48: {  	_ =	shalt  }
0x49: {  	_ =	shalt  }
0x4a: {  	_ =	shalt  }
0x4b: {  	_ =	shalt  }
0x4c: {  	_ =	shalt  }
0x4d: {  	_ =	shalt  }
0x4e: {  	_ =	shalt  }
0x4f: {  	_ =	shalt  }
0x50: {  	_ =	shalt  }
0x51: {  	_ =	shalt  }
0x52: {  	_ =	shalt  }
0x53: {  	_ =	shalt  }
0x54: {  	_ =	shalt  }
0x55: {  	_ =	shalt  }
0x56: {  	_ =	shalt  }
0x57: {  	_ =	shalt  }
0x58: {  	_ =	shalt  }
0x59: {  	_ =	shalt  }
0x5a: {  	_ =	shalt  }
0x5b: {  	_ =	shalt  }
0x5c: {  	_ =	shalt  }
0x5d: {  	_ =	shalt  }
0x5e: {  	_ =	shalt  }
0x5f: {  	_ =	shalt  }
0x60: {  	_ =	shalt  }
0x61: {  	_ =	shalt  }
0x62: {  	_ =	shalt  }
0x63: {  	_ =	shalt  }
0x64: {  	_ =	shalt  }
0x65: {  	_ =	shalt  }
0x66: {  	_ =	shalt  }
0x67: {  	_ =	shalt  }
0x68: {  	_ =	shalt  }
0x69: {  	_ =	shalt  }
0x6a: {  	_ =	shalt  }
0x6b: {  	_ =	shalt  }
0x6c: {  	_ =	shalt  }
0x6d: {  	_ =	shalt  }
0x6e: {  	_ =	shalt  }
0x6f: {  	_ =	shalt  }
0x70: {  	_ =	shalt  }
0x71: {  	_ =	shalt  }
0x72: {  	_ =	shalt  }
0x73: {  	_ =	shalt  }
0x74: {  	_ =	shalt  }
0x75: {  	_ =	shalt  }
0x76: {  	_ =	shalt  }
0x77: {  	_ =	shalt  }
0x78: {  	_ =	shalt  }
0x79: {  	_ =	shalt  }
0x7a: {  	_ =	shalt  }
0x7b: {  	_ =	shalt  }
0x7c: {  	_ =	shalt  }
0x7d: {  	_ =	shalt  }
0x7e: {  	_ =	shalt  }
0x7f: {  	_ =	shalt  }
0x80: {  	_ =	shalt  }
0x81: {  	_ =	shalt  }
0x82: {  	_ =	shalt  }
0x83: {  	_ =	shalt  }
0x84: {  	_ =	shalt  }
0x85: {  	_ =	shalt  }
0x86: {  	_ =	shalt  }
0x87: {  	_ =	shalt  }
.Lfunc_end0:
.L_simem_size_0:
called_computation_lowered:
.L_overlay_start_0:
0x88: {  	s2 =	sld [smem:$0x3FD9]  }
0x89: {  	s3 =	sld [smem:$0x3FFE];
	_ =	sdelay $0x1  }
0x8a: {  	s1 =	srdreg.scid  }
0x8b: {  	s0 =	sand.u32 $0x1, s1  }
0x8c: {  	s18 =	sshll.u32 s0, $0xA;
	s2 =	sadd.s32 s3, s2  }
0x8d: {  	s2 =	sadd.s32 s2, s18  }
0x8e: {  	[smem:$0x3FC5] =	sst s2  }
0x8f: {  	_ = 	snop  }
0x90: {  	s2 =	sld [smem:$0x3FC8]  }
0x91: {  	s19 =	sld [smem:$0x3FC7]  }
0x92: {  	s4 =	sld [smem:$0x3FD0];
	(tm) =	ssettm $0x1  }
0x93: {  	s5 =	sld [smem:$0x3FFB];
	_ =	sdelay $0x3  }
0x94: {  	_ =	strace s5  }
0x95: {  	s5 =	sld [smem:$0x3FFC];
	_ =	sdelay $0x3  }
0x96: {  	_ =	strace s5  }
0x97: {  	s5 =	sld [smem:$0x3FFD];
	_ =	sdelay $0x3  }
0x98: {  	_ =	strace s5  }
0x99: {  	_ =	strace $0x8FFFFFFF  }
0x9a: {  	s20 =	sld [smem:$0x3FDB];
	_ =	sdelay $0x1  }
0x9b: {  	s6 =	simm.s32 $_scs_section_size  }
0x9c: {  	s7 =	simm.s32 $_size__tile_overlayer_lowered;
	s8 =	simm.s32 $_tile_overlayer_lowered  }
0x9d: {  	s23 =	simm.s32 $0x1BFF;
	s22 =	sshll.u32 s8, $0x1;
	s5 =	sadd.s32 s6, s20  }
0x9e: {  	s9 =	simm.s32 $0x0;
	s21 =	sshll.u32 s7, $0x1;
	s7 =	sadd.s32 s22, s5  }
0x9f: {  	[timem:s9], [sflag:s23] =	dma.local [hbm:s7], s21  }
0xa0: {  	_ =	swait.ge [sflag:s23], s21  }
0xa1: {  	s6 =	ssub.s32 $0x0, s21;
	[sflag:s23] =	ssyncset.done $0x0  }
0xa2: {  	[sflag:s23] =	ssyncadd.s32 s6;
	_ =	sdelay $0x1  }
0xa3: {  	s24 =	simm.s32 $0x1B8B  }
0xa4: {  	_ =	swait.ge [sflag:s24], $0x1  }
0xa5: {  	[sflag:s24] =	ssyncset.done $0x0  }
0xa6: {  	s25 =	simm.s32 $0x1B8E;
	[sflag:s24] =	ssyncadd.s32 $0xFFFFFFFF  }
0xa7: {  	s26 =	simm.s32 $execute0_lowered;
	[smem:$0x3FD2] =	sst s25  }
0xa8: {  	s6 =	sshll.u32 s26, $0x1;
	_ =	strace $0x80000046;
	[dreg:$0x1] =	wrdreg $0xFFFFFFFF  }
0xa9: {  	s28 =	simm.s32 $_size_execute0_lowered;
	s5 =	sadd.s32 s5, s6;
	[dreg:$0x0] =	wrdreg $0x0  }
0xaa: {  	s6 =	sshll.u32 s28, $0x1;
	[dreg:$0x2] =	wrdreg s5  }
0xab: {  	[dreg:$0x3] =	wrdreg s6  }
0xac: {  	[dreg:$0x4] =	wrdreg $0xC0  }
0xad: {  	_ =	task [dreg:s9], $0x5FFFF  }
0xae: {  	[dreg:$0x1] =	wrdreg $0xFFFFFFFF  }
0xaf: {  	[dreg:$0x0] =	wrdreg $0x60  }
0xb0: {  	[dreg:$0x2] =	wrdreg s2  }
0xb1: {  	[dreg:$0x3] =	wrdreg s19  }
0xb2: {  	[dreg:$0x4] =	wrdreg s4  }
0xb3: {  	[dreg:$0x5] =	wrdreg $0x9  }
0xb4: {  	_ =	task.clear_ibuf [dreg:s9], $0x6FFFF;
	_ =	strace $0x90000046  }
0xb5: {  	s29 =	simm.s32 $0x9;
	_ =	strace $0x80000048  }
0xb6: {  	_ =	swait.ge [sflag:s29], $0x1  }
0xb7: {  	[sflag:s29] =	ssyncadd.s32 $0xFFFFFFFF  }
0xb8: {  	_ =	strace $0x90000048  }
0xb9: {  	_ =	sfence  }
0xba: {  	s30 =	sld [smem:$0x0];
	_ =	sdelay $0x2  }
0xbb: {  	s31 =	sshll.u32 s1, $0xD;
	s1 =	sshrl.u32 s1, $0x2  }
0xbc: {  	s3 =	sand.u32 $0x4000, s31;
	s1 =	sadd.s32 s1, s30  }
0xbd: {  	s0 =	sor.u32 s3, s0;
	s1 =	sshll.u32 s1, $0x11  }
0xbe: {  	s0 =	sor.u32 s1, s0  }
0xbf: {  	s0 =	sadd.s32 $0x8F2B, s0  }
0xc0: {  	[sflag:s0] =	ssyncadd.remote.s32 $0x1  }
0xc1: {  	_ =	sfence.sel $0xFFFF  }
0xc2: {  	[dreg:$0x0] =	wrdreg $0xFFFFFFFF;
	(pc) =	sbr.abs _section_cstart, $3  }
0xc3: {  	[dreg:$0x1] =	wrdreg $0xFFFFFFFF  }
0xc4: {  	_ =	task.clear_ibuf [dreg:s9], $0x2FFFF;
	_ =	strace $0x9FFFFFFF  }
0xc5: {  	(tm) =	ssettm $0x7FFFFFFF  }
tec
execute0_lowered:
.L_overlay_start_1:
0x0: {  	(tag) =	ssettag $0x1  }
0x1: {  	s0 =	srdreg.scid  }
0x2: {  	s5 =	sand.u32 $0x1, s0;
	s0 =	stileid.u32  }
0x3: {  	s6 =	sor.u32 s0, s5  }
0x4: {  	p0 =	sne.s32 s6, $0x0  }
.Ltmp0:
0x5: {  	_ = 	snop;
	(pc) =	sbr.rel @p0 .LBB2_5-.Ltmp0, $4  }
0x6: {  	s1 =	rddreg [dreg:$0x0]  }
0x7: {  	s3 =	rddreg [dreg:$0x1]  }
0x8: {  	s4 =	rddreg [dreg:$0x2]  }
0x9: {  	s2 =	rddreg [dreg:$0x3];
	_ =	strace $0x80000047  }
0xa: {  	s5 =	ssub.s32 $0x2, s5;
	s7 =	simm.s32 $0x1  }
0xb: {  	s8 =	simm.s32 $0x800;
	s9 =	simm.s32 $0x880;
	s6 =	sshrl.u32 s5, $0x1  }
0xc: {  	s10 =	simm.s32 $0x0;
	s5 =	ssub.s32 s5, s6;
	s6 =	simm.s32 $0x0  }
.LBB2_2:
0xd: {  	[tilespmem:s6], [sflag:$0x1] =	stream.linear.gather [hbm4b:s1+s6], $0x800, $0x38;
	[tilespmem:$0x1080] =	vst v63  }
0xe: {  	_ =	swait.ge [sflag:s7], $0x800  }
0xf: {  	[sflag:s7] =	ssyncset.done $0x0  }
0x10: {  	[sflag:s7] =	ssyncadd.s32 $0xFFFFF800  }
0x11: {  	[tilespmem:s8], [sflag:$0x1] =	stream.linear.gather [hbm4b:s3+s6], $0x80, $0x38;
	[tilespmem:$0x1080] =	vst v63  }
0x12: {  	_ =	swait.ge [sflag:s7], $0x80  }
0x13: {  	[sflag:s7] =	ssyncset.done $0x0  }
0x14: {  	s11 =	simm.s32 $0x0;
	[sflag:s7] =	ssyncadd.s32 $0xFFFFFF80  }
0x15: {  	v0 =	vld [tilespmem:s11+$0x0];
	_ =	sdelay $0x7  }
0x16: {  	s12 =	simm.s32 $0x10;
	s13 =	simm.s32 $0x80;
	v0 =	vld.idx.msk [tilespmem:v0+s8+$0x0], $0xffff  }
.LBB2_3:
0x17: {  	p0 =	sne.s32 s13, $0x1F00;
	v1 =	vld [tilespmem:s12+$0x0];
	_ =	sdelay $0x3  }
.Ltmp1:
0x18: {  	(pc) =	sbr.rel @p0 .LBB2_3-.Ltmp1, $2  }
0x19: {  	[tilespmem:s11+$0x880] =	vst v0;
	s11 =	smov.u32 s12;
	_ =	sdelay $0x2  }
0x1a: {  	s12 =	sshra.s32 s13, $0x2;
	s13 =	sadd.s32 $0x40, s13;
	v0 =	vld.idx.msk [tilespmem:v1+s8+$0x0], $0xffff  }
0x1b: {  	v1 =	vld [tilespmem:s12+$0x0];
	_ =	sdelay $0x6  }
0x1c: {  	[tilespmem:s11+$0x880] =	vst v0  }
0x1d: {  	v0 =	vld.idx.msk [tilespmem:v1+s8+$0x0], $0xffff;
	_ =	sdelay $0x2  }
0x1e: {  	s10 =	sadd.s32 $0x1, s10  }
0x1f: {  	p0 =	sne.s32 s10, s5  }
.Ltmp2:
0x20: {  	[tilespmem:s12+$0x880] =	vst v0;
	(pc) =	sbr.rel @p0 .LBB2_2-.Ltmp2, $4  }
0x21: {  	[hbm4b:s4+s6] =	stream.linear.scatter [tilespmem:s9], [sflag:$0x1], $0x800, $0x38;
	[tilespmem:$0x1080] =	vst v63  }
0x22: {  	_ =	swait.ge [sflag:s7], $0x800  }
0x23: {  	[sflag:s7] =	ssyncset.done $0x0  }
0x24: {  	[sflag:s7] =	ssyncadd.s32 $0xFFFFF800  }
.LBB2_5:
0x25: {  	_ =	sfence.sel $0x180000  }
0x26: {  	[bflag:$0x0] =	sbarrier.arrive $0xFFFF  }
0x27: {  	p0 =	sne.s32 s0, $0x0;
	_ =	strace $0x90000047  }
0x28: {  	s0 =	sadd.s32 @!p0 $0x100000, s2;
	[bflag:$0x2] =	sbarrier.arrive $0xFFFF  }
0x29: {  	[sflag:s0] =	ssyncadd.tile.s32 @!p0 $0x1;
	_ =	shalt  }
.Lfunc_end2:
_tile_overlayer_lowered:
.L_overlay_start_2:
0x2a: {  	(tag) =	ssettag $0x2  }
0x2b: {  	s0 =	rddreg [dreg:$0x0];
	s2 =	stileid.u32  }
0x2c: {  	s1 =	rddreg [dreg:$0x1];
	p0 =	sne.s32 s2, $0x0  }
0x2d: {  	s3 =	rddreg [dreg:$0x2];
	[bflag:$0x3] =	sbarrier.arrive $0xFFFF;
	s2 =	simm.s32 @!p0 $0x1C01  }
0x2e: {  	[timem:s3], [sflag:s2] =	dma.local @!p0 [hbm:s0], s1  }
0x2f: {  	s0 =	simm.s32 @!p0 $0x1  }
0x30: {  	_ =	swait.ge @!p0 [sflag:s0], s1  }
0x31: {  	s1 =	ssub.s32 @!p0 $0x0, s1;
	[sflag:s0] =	ssyncset.done @!p0 $0x0  }
0x32: {  	[sflag:s0] =	ssyncadd.s32 @!p0 s1  }
0x33: {  	[bflag:$0x3] =	sbarrier.arrive $0xFFFF  }
0x34: {  	_ =	shalt  }

</sc_bundles>
